<compile_context>
chip_gen: v7x
topology: tpu7x:2x2x1
jax: 0.10.2.dev20260603
libtpu: 0.0.44.dev20260713+nightly
codegen_flags: <defaults>
</compile_context>

<pallas_src>
import functools

import jax
import jax.numpy as jnp
from jax import lax
from jax.experimental import pallas as pl
from jax.experimental.pallas import tpu as pltpu
from jax.experimental.pallas import tpu_sc as plsc

_SUB = 400
_NBUF = 2


@functools.lru_cache(maxsize=None)
def _build(V, D, N):
    info = plsc.get_sparse_core_info()
    NC, NS = info.num_cores, info.num_subcores
    NW = NC * NS
    b_per_w = N // NW
    n_ch = b_per_w // _SUB
    n_t = n_ch // _NBUF
    mesh = plsc.VectorSubcoreMesh(core_axis_name="c", subcore_axis_name="s")

    @functools.partial(
        pl.kernel,
        mesh=mesh,
        out_type=jax.ShapeDtypeStruct((N, D), jnp.float32),
        scratch_types=[
            pltpu.VMEM((b_per_w,), jnp.int32),
            pltpu.VMEM((_NBUF, _SUB, D), jnp.float32),
            pltpu.SemaphoreType.DMA((_NBUF,)),
            pltpu.SemaphoreType.DMA((_NBUF,)),
        ],
    )
    def lookup(idx_hbm, table_hbm, out_hbm, idx_v, rows_v, sem_g, sem_s):
        wid = lax.axis_index("s") * NC + lax.axis_index("c")
        base = wid * b_per_w
        pltpu.sync_copy(idx_hbm.at[pl.ds(base, b_per_w)], idx_v)

        def gather(c, b):
            pltpu.async_copy(
                table_hbm.at[idx_v.at[pl.ds(c * _SUB, _SUB)]],
                rows_v.at[b],
                sem_g.at[b],
            )

        def store(c, b):
            pltpu.async_copy(
                rows_v.at[b],
                out_hbm.at[pl.ds(base + c * _SUB, _SUB)],
                sem_s.at[b],
            )

        def wait_store(b):
            pltpu.make_async_copy(
                rows_v.at[b],
                out_hbm.at[pl.ds(base, _SUB)],
                sem_s.at[b],
            ).wait()

        def wait_gather(b):
            pltpu.make_async_copy(
                table_hbm.at[idx_v.at[pl.ds(0, _SUB)]],
                rows_v.at[b],
                sem_g.at[b],
            ).wait()

        def body(t, carry):
            for b in range(_NBUF):

                @pl.when(t > 0)
                def _():
                    wait_store(b)

                gather(t * _NBUF + b, b)
                if b == 0:

                    @pl.when(t > 0)
                    def _():
                        wait_gather(_NBUF - 1)
                        store(t * _NBUF - 1, _NBUF - 1)

                else:
                    wait_gather(b - 1)
                    store(t * _NBUF + b - 1, b - 1)
            return carry

        lax.fori_loop(0, n_t, body, 0)
        wait_gather(_NBUF - 1)
        store(n_ch - 1, _NBUF - 1)
        for b in range(_NBUF):
            wait_store(b)

    return lookup


def kernel(x, W):
    B, S = x.shape
    V, D = W.shape
    N = B * S
    out = _build(V, D, N)(x.reshape(N), W)
    return out.reshape(B, S, D)

# --- scband reference (transcript-rebuilt; emitter-appended) ---
"""Pipeline reference for scband-fixed-embedding-17471926960798 (READ-ONLY COPY).

The authoritative reference and input builder live on the scoring server;
editing this copy changes nothing except your own understanding.
"""

import jax, jax.numpy as jnp
import numpy as np
import math

NUM_EMBEDDINGS = 100000
D_MODEL = 128
BATCH = 4096
SEQ_LEN = 200


def _make_fixed_table(num_embeddings, d_model):
    position = np.arange(0, num_embeddings, dtype=np.float32)[:, None]
    div_term = np.exp(np.arange(0, d_model, 2, dtype=np.float32) * (-math.log(10000.0) / d_model))
    w = np.zeros((num_embeddings, d_model), dtype=np.float32)
    w[:, 0::2] = np.sin(position * div_term)
    w[:, 1::2] = np.cos(position * div_term)
    return jnp.asarray(w)


def setup_inputs(seed: int = 0) -> dict:
    key = jax.random.key(seed)
    x = jax.random.randint(key, (BATCH, SEQ_LEN), 0, NUM_EMBEDDINGS, dtype=jnp.int32)
    W = _make_fixed_table(NUM_EMBEDDINGS, D_MODEL)
    return {"x": x, "W": W}


def reference(x, W):
    # FixedEmbedding.forward: embedding lookup into the fixed sinusoidal table
    return jnp.take(W, x, axis=0)

if __name__ == "__main__":
    import jax
    _d = setup_inputs()
    print(jax.jit(kernel)(*tuple(_d.values())))

</pallas_src>

<mosaic_0001>
#map = affine_map<(d0, d1) -> (0)>
#map1 = affine_map<(d0, d1) -> (0, 0)>
module attributes {stable_mosaic.version = 14 : i64} {
  func.func @lookup(%arg0: i32, %arg1: i32, %arg2: memref<819200xi32, #tpu.memory_space<hbm>>, %arg3: memref<100000x128xf32, #tpu.memory_space<hbm>>, %arg4: memref<819200x128xf32, #tpu.memory_space<hbm>>, %arg5: memref<25600xi32, #tpu.memory_space<vmem>>, %arg6: memref<2x400x128xf32, #tpu.memory_space<vmem>>, %arg7: memref<2x!tpu.dma_semaphore, #tpu.memory_space<semaphore_mem>>, %arg8: memref<2x!tpu.dma_semaphore, #tpu.memory_space<semaphore_mem>>) attributes {dimension_semantics = [#tpu.dimension_semantics<core_parallel>, #tpu.dimension_semantics<subcore_parallel>], iteration_bounds = array<i64: 2, 16>, scalar_prefetch = 0 : i64, scratch_operands = 4 : i64, tpu.core_type = #tpu.core_type<sc_vector_subcore>, window_params = [{transform_indices = #map}, {transform_indices = #map1}, {transform_indices = #map1}]} {
    %mul3A = arith.constant 2 : i32
    %mul3A_0 = arith.muli %arg1, %mul3A : i32
    %add3A = arith.addi %mul3A_0, %arg0 : i32
    %mul3A_1 = arith.constant 25600 : i32
    %mul3A_2 = arith.muli %add3A, %mul3A_1 : i32
    "tpu.region"() ({
      %run_scoped3A = tpu.sem_alloc : memref<!tpu.dma_semaphore, #tpu.memory_space<semaphore_mem>>
      %dma_start3A_69 = tpu.memref_slice %arg2[%mul3A_2] : memref<819200xi32, #tpu.memory_space<hbm>> -> memref<25600xi32, #tpu.memory_space<hbm>>
      %dma_start3A_70 = tpu.memref_slice %arg2[%mul3A_2] : memref<819200xi32, #tpu.memory_space<hbm>> -> memref<25600xi32, #tpu.memory_space<hbm>>
      tpu.enqueue_dma source(%dma_start3A_70 : memref<25600xi32, #tpu.memory_space<hbm>>) target(%arg5 : memref<25600xi32, #tpu.memory_space<vmem>>) target_semaphore(%run_scoped3A : memref<!tpu.dma_semaphore, #tpu.memory_space<semaphore_mem>>)
      %dma_wait3A_71 = tpu.memref_slice %arg2[%mul3A_2] : memref<819200xi32, #tpu.memory_space<hbm>> -> memref<25600xi32, #tpu.memory_space<hbm>>
      %dma_wait3A_72 = tpu.memref_slice %arg2[%mul3A_2] : memref<819200xi32, #tpu.memory_space<hbm>> -> memref<25600xi32, #tpu.memory_space<hbm>>
      tpu.wait_dma2 semaphore(%run_scoped3A : memref<!tpu.dma_semaphore, #tpu.memory_space<semaphore_mem>>) src(%dma_wait3A_72 : memref<25600xi32, #tpu.memory_space<hbm>>) dst(%arg5 : memref<25600xi32, #tpu.memory_space<vmem>>)
      tpu.yield
    }) : () -> ()
    %scan3A = arith.constant 0 : i32
    %scan3A_3 = arith.constant 0 : i32
    %scan3A_4 = arith.constant 32 : i32
    %scan3A_5 = arith.addi %scan3A_3, %scan3A_4 : i32
    %scan3A_6 = arith.constant 1 : i32
    scf.for %scan3A_69 = %scan3A_3 to %scan3A_5 step %scan3A_6  : i32 {
      %gt3A = arith.constant 0 : i32
      %gt3A_70 = arith.cmpi sgt, %scan3A_69, %gt3A : i32
      %convert_element_type3A = arith.extui %gt3A_70 : i1 to i32
      %cond3A = arith.constant 0 : i32
      %cond3A_71 = arith.cmpi ne, %convert_element_type3A, %cond3A : i32
      scf.if %cond3A_71 {
        %dma_wait3A_155 = arith.constant 0 : i32
        %dma_wait3A_156 = arith.constant 0 : i32
        %dma_wait3A_157 = arith.constant 0 : i32
        %dma_wait3A_158 = arith.constant 0 : i32
        %dma_wait3A_159 = tpu.memref_slice %arg6[%dma_wait3A_155, %dma_wait3A_157, %dma_wait3A_158] : memref<2x400x128xf32, #tpu.memory_space<vmem>> -> memref<1x400x128xf32, #tpu.memory_space<vmem>>
        %dma_wait3A_160 = tpu.memref_squeeze %dma_wait3A_159 : memref<1x400x128xf32, #tpu.memory_space<vmem>> -> memref<400x128xf32, #tpu.memory_space<vmem>>
        %dma_wait3A_161 = arith.constant 0 : i32
        %dma_wait3A_162 = tpu.memref_slice %arg4[%mul3A_2, %dma_wait3A_161] : memref<819200x128xf32, #tpu.memory_space<hbm>> -> memref<400x128xf32, #tpu.memory_space<hbm>>
        %dma_wait3A_163 = tpu.memref_slice %arg8[%dma_wait3A_156] : memref<2x!tpu.dma_semaphore, #tpu.memory_space<semaphore_mem>> -> memref<1x!tpu.dma_semaphore, #tpu.memory_space<semaphore_mem>>
        %dma_wait3A_164 = tpu.memref_squeeze %dma_wait3A_163 : memref<1x!tpu.dma_semaphore, #tpu.memory_space<semaphore_mem>> -> memref<!tpu.dma_semaphore, #tpu.memory_space<semaphore_mem>>
        %dma_wait3A_165 = arith.constant 0 : i32
        %dma_wait3A_166 = tpu.memref_slice %arg4[%mul3A_2, %dma_wait3A_165] : memref<819200x128xf32, #tpu.memory_space<hbm>> -> memref<400x128xf32, #tpu.memory_space<hbm>>
        %dma_wait3A_167 = arith.constant 0 : i32
        %dma_wait3A_168 = arith.constant 0 : i32
        %dma_wait3A_169 = tpu.memref_slice %arg6[%dma_wait3A_155, %dma_wait3A_167, %dma_wait3A_168] : memref<2x400x128xf32, #tpu.memory_space<vmem>> -> memref<1x400x128xf32, #tpu.memory_space<vmem>>
        %dma_wait3A_170 = tpu.memref_squeeze %dma_wait3A_169 : memref<1x400x128xf32, #tpu.memory_space<vmem>> -> memref<400x128xf32, #tpu.memory_space<vmem>>
        tpu.wait_dma2 semaphore(%dma_wait3A_164 : memref<!tpu.dma_semaphore, #tpu.memory_space<semaphore_mem>>) src(%dma_wait3A_170 : memref<400x128xf32, #tpu.memory_space<vmem>>) dst(%dma_wait3A_166 : memref<400x128xf32, #tpu.memory_space<hbm>>)
      } else {
      }
      %mul3A_72 = arith.constant 2 : i32
      %mul3A_73 = arith.muli %scan3A_69, %mul3A_72 : i32
      %add3A_74 = arith.constant 0 : i32
      %add3A_75 = arith.addi %mul3A_73, %add3A_74 : i32
      %mul3A_76 = arith.constant 400 : i32
      %mul3A_77 = arith.muli %add3A_75, %mul3A_76 : i32
      %dma_start3A_78 = arith.constant 0 : i32
      %dma_start3A_79 = arith.constant 0 : i32
      %dma_start3A_80 = arith.constant 0 : i32
      %dma_start3A_81 = arith.constant 0 : i32
      %dma_start3A_82 = tpu.memref_slice %arg6[%dma_start3A_78, %dma_start3A_80, %dma_start3A_81] : memref<2x400x128xf32, #tpu.memory_space<vmem>> -> memref<1x400x128xf32, #tpu.memory_space<vmem>>
      %dma_start3A_83 = tpu.memref_squeeze %dma_start3A_82 : memref<1x400x128xf32, #tpu.memory_space<vmem>> -> memref<400x128xf32, #tpu.memory_space<vmem>>
      %dma_start3A_84 = tpu.memref_slice %arg5[%mul3A_77] : memref<25600xi32, #tpu.memory_space<vmem>> -> memref<400xi32, #tpu.memory_space<vmem>>
      %dma_start3A_85 = arith.constant 0 : i32
      %dma_start3A_86 = arith.constant 0 : i32
      %dma_start3A_87 = tpu.memref_slice %arg3[%dma_start3A_85, %dma_start3A_86] : memref<100000x128xf32, #tpu.memory_space<hbm>> -> memref<100000x128xf32, #tpu.memory_space<hbm>>
      %dma_start3A_88 = tpu.memref_slice %arg7[%dma_start3A_79] : memref<2x!tpu.dma_semaphore, #tpu.memory_space<semaphore_mem>> -> memref<1x!tpu.dma_semaphore, #tpu.memory_space<semaphore_mem>>
      %dma_start3A_89 = tpu.memref_squeeze %dma_start3A_88 : memref<1x!tpu.dma_semaphore, #tpu.memory_space<semaphore_mem>> -> memref<!tpu.dma_semaphore, #tpu.memory_space<semaphore_mem>>
      tpu.enqueue_indirect_dma source(%dma_start3A_87 : memref<100000x128xf32, #tpu.memory_space<hbm>>) target(%dma_start3A_83 : memref<400x128xf32, #tpu.memory_space<vmem>>) offsets(%dma_start3A_84 : memref<400xi32, #tpu.memory_space<vmem>>) semaphore(%dma_start3A_89 : memref<!tpu.dma_semaphore, #tpu.memory_space<semaphore_mem>>)
      %gt3A_90 = arith.constant 0 : i32
      %gt3A_91 = arith.cmpi sgt, %scan3A_69, %gt3A_90 : i32
      %convert_element_type3A_92 = arith.extui %gt3A_91 : i1 to i32
      %cond3A_93 = arith.constant 0 : i32
      %cond3A_94 = arith.cmpi ne, %convert_element_type3A_92, %cond3A_93 : i32
      scf.if %cond3A_94 {
        %dma_wait3A_155 = arith.constant 1 : i32
        %dma_wait3A_156 = arith.constant 1 : i32
        %dma_wait3A_157 = arith.constant 0 : i32
        %dma_wait3A_158 = arith.constant 0 : i32
        %dma_wait3A_159 = tpu.memref_slice %arg6[%dma_wait3A_155, %dma_wait3A_157, %dma_wait3A_158] : memref<2x400x128xf32, #tpu.memory_space<vmem>> -> memref<1x400x128xf32, #tpu.memory_space<vmem>>
        %dma_wait3A_160 = tpu.memref_squeeze %dma_wait3A_159 : memref<1x400x128xf32, #tpu.memory_space<vmem>> -> memref<400x128xf32, #tpu.memory_space<vmem>>
        %dma_wait3A_161 = arith.constant 0 : i32
        %dma_wait3A_162 = tpu.memref_slice %arg5[%dma_wait3A_161] : memref<25600xi32, #tpu.memory_space<vmem>> -> memref<400xi32, #tpu.memory_space<vmem>>
        %dma_wait3A_163 = arith.constant 0 : i32
        %dma_wait3A_164 = arith.constant 0 : i32
        %dma_wait3A_165 = tpu.memref_slice %arg3[%dma_wait3A_163, %dma_wait3A_164] : memref<100000x128xf32, #tpu.memory_space<hbm>> -> memref<100000x128xf32, #tpu.memory_space<hbm>>
        %dma_wait3A_166 = tpu.memref_slice %arg7[%dma_wait3A_156] : memref<2x!tpu.dma_semaphore, #tpu.memory_space<semaphore_mem>> -> memref<1x!tpu.dma_semaphore, #tpu.memory_space<semaphore_mem>>
        %dma_wait3A_167 = tpu.memref_squeeze %dma_wait3A_166 : memref<1x!tpu.dma_semaphore, #tpu.memory_space<semaphore_mem>> -> memref<!tpu.dma_semaphore, #tpu.memory_space<semaphore_mem>>
        tpu.wait_indirect_dma semaphore(%dma_wait3A_167 : memref<!tpu.dma_semaphore, #tpu.memory_space<semaphore_mem>>) src(%dma_wait3A_165 : memref<100000x128xf32, #tpu.memory_space<hbm>>) dst(%dma_wait3A_160 : memref<400x128xf32, #tpu.memory_space<vmem>>)
        %mul3A_168 = arith.constant 2 : i32
        %mul3A_169 = arith.muli %scan3A_69, %mul3A_168 : i32
        %sub3A_170 = arith.constant 1 : i32
        %sub3A_171 = arith.subi %mul3A_169, %sub3A_170 : i32
        %mul3A_172 = arith.constant 400 : i32
        %mul3A_173 = arith.muli %sub3A_171, %mul3A_172 : i32
        %add3A_174 = arith.addi %mul3A_2, %mul3A_173 : i32
        %dma_start3A_175 = arith.constant 1 : i32
        %dma_start3A_176 = arith.constant 1 : i32
        %dma_start3A_177 = arith.constant 0 : i32
        %dma_start3A_178 = arith.constant 0 : i32
        %dma_start3A_179 = tpu.memref_slice %arg6[%dma_start3A_175, %dma_start3A_177, %dma_start3A_178] : memref<2x400x128xf32, #tpu.memory_space<vmem>> -> memref<1x400x128xf32, #tpu.memory_space<vmem>>
        %dma_start3A_180 = tpu.memref_squeeze %dma_start3A_179 : memref<1x400x128xf32, #tpu.memory_space<vmem>> -> memref<400x128xf32, #tpu.memory_space<vmem>>
        %dma_start3A_181 = arith.constant 0 : i32
        %dma_start3A_182 = tpu.memref_slice %arg4[%add3A_174, %dma_start3A_181] : memref<819200x128xf32, #tpu.memory_space<hbm>> -> memref<400x128xf32, #tpu.memory_space<hbm>>
        %dma_start3A_183 = tpu.memref_slice %arg8[%dma_start3A_176] : memref<2x!tpu.dma_semaphore, #tpu.memory_space<semaphore_mem>> -> memref<1x!tpu.dma_semaphore, #tpu.memory_space<semaphore_mem>>
        %dma_start3A_184 = tpu.memref_squeeze %dma_start3A_183 : memref<1x!tpu.dma_semaphore, #tpu.memory_space<semaphore_mem>> -> memref<!tpu.dma_semaphore, #tpu.memory_space<semaphore_mem>>
        %dma_start3A_185 = arith.constant 0 : i32
        %dma_start3A_186 = tpu.memref_slice %arg4[%add3A_174, %dma_start3A_185] : memref<819200x128xf32, #tpu.memory_space<hbm>> -> memref<400x128xf32, #tpu.memory_space<hbm>>
        %dma_start3A_187 = arith.constant 0 : i32
        %dma_start3A_188 = arith.constant 0 : i32
        %dma_start3A_189 = tpu.memref_slice %arg6[%dma_start3A_175, %dma_start3A_187, %dma_start3A_188] : memref<2x400x128xf32, #tpu.memory_space<vmem>> -> memref<1x400x128xf32, #tpu.memory_space<vmem>>
        %dma_start3A_190 = tpu.memref_squeeze %dma_start3A_189 : memref<1x400x128xf32, #tpu.memory_space<vmem>> -> memref<400x128xf32, #tpu.memory_space<vmem>>
        tpu.enqueue_dma source(%dma_start3A_190 : memref<400x128xf32, #tpu.memory_space<vmem>>) target(%dma_start3A_186 : memref<400x128xf32, #tpu.memory_space<hbm>>) target_semaphore(%dma_start3A_184 : memref<!tpu.dma_semaphore, #tpu.memory_space<semaphore_mem>>)
      } else {
      }
      %gt3A_95 = arith.constant 0 : i32
      %gt3A_96 = arith.cmpi sgt, %scan3A_69, %gt3A_95 : i32
      %convert_element_type3A_97 = arith.extui %gt3A_96 : i1 to i32
      %cond3A_98 = arith.constant 0 : i32
      %cond3A_99 = arith.cmpi ne, %convert_element_type3A_97, %cond3A_98 : i32
      scf.if %cond3A_99 {
        %dma_wait3A_155 = arith.constant 1 : i32
        %dma_wait3A_156 = arith.constant 1 : i32
        %dma_wait3A_157 = arith.constant 0 : i32
        %dma_wait3A_158 = arith.constant 0 : i32
        %dma_wait3A_159 = tpu.memref_slice %arg6[%dma_wait3A_155, %dma_wait3A_157, %dma_wait3A_158] : memref<2x400x128xf32, #tpu.memory_space<vmem>> -> memref<1x400x128xf32, #tpu.memory_space<vmem>>
        %dma_wait3A_160 = tpu.memref_squeeze %dma_wait3A_159 : memref<1x400x128xf32, #tpu.memory_space<vmem>> -> memref<400x128xf32, #tpu.memory_space<vmem>>
        %dma_wait3A_161 = arith.constant 0 : i32
        %dma_wait3A_162 = tpu.memref_slice %arg4[%mul3A_2, %dma_wait3A_161] : memref<819200x128xf32, #tpu.memory_space<hbm>> -> memref<400x128xf32, #tpu.memory_space<hbm>>
        %dma_wait3A_163 = tpu.memref_slice %arg8[%dma_wait3A_156] : memref<2x!tpu.dma_semaphore, #tpu.memory_space<semaphore_mem>> -> memref<1x!tpu.dma_semaphore, #tpu.memory_space<semaphore_mem>>
        %dma_wait3A_164 = tpu.memref_squeeze %dma_wait3A_163 : memref<1x!tpu.dma_semaphore, #tpu.memory_space<semaphore_mem>> -> memref<!tpu.dma_semaphore, #tpu.memory_space<semaphore_mem>>
        %dma_wait3A_165 = arith.constant 0 : i32
        %dma_wait3A_166 = tpu.memref_slice %arg4[%mul3A_2, %dma_wait3A_165] : memref<819200x128xf32, #tpu.memory_space<hbm>> -> memref<400x128xf32, #tpu.memory_space<hbm>>
        %dma_wait3A_167 = arith.constant 0 : i32
        %dma_wait3A_168 = arith.constant 0 : i32
        %dma_wait3A_169 = tpu.memref_slice %arg6[%dma_wait3A_155, %dma_wait3A_167, %dma_wait3A_168] : memref<2x400x128xf32, #tpu.memory_space<vmem>> -> memref<1x400x128xf32, #tpu.memory_space<vmem>>
        %dma_wait3A_170 = tpu.memref_squeeze %dma_wait3A_169 : memref<1x400x128xf32, #tpu.memory_space<vmem>> -> memref<400x128xf32, #tpu.memory_space<vmem>>
        tpu.wait_dma2 semaphore(%dma_wait3A_164 : memref<!tpu.dma_semaphore, #tpu.memory_space<semaphore_mem>>) src(%dma_wait3A_170 : memref<400x128xf32, #tpu.memory_space<vmem>>) dst(%dma_wait3A_166 : memref<400x128xf32, #tpu.memory_space<hbm>>)
      } else {
      }
      %mul3A_100 = arith.constant 2 : i32
      %mul3A_101 = arith.muli %scan3A_69, %mul3A_100 : i32
      %add3A_102 = arith.constant 1 : i32
      %add3A_103 = arith.addi %mul3A_101, %add3A_102 : i32
      %mul3A_104 = arith.constant 400 : i32
      %mul3A_105 = arith.muli %add3A_103, %mul3A_104 : i32
      %dma_start3A_106 = arith.constant 1 : i32
      %dma_start3A_107 = arith.constant 1 : i32
      %dma_start3A_108 = arith.constant 0 : i32
      %dma_start3A_109 = arith.constant 0 : i32
      %dma_start3A_110 = tpu.memref_slice %arg6[%dma_start3A_106, %dma_start3A_108, %dma_start3A_109] : memref<2x400x128xf32, #tpu.memory_space<vmem>> -> memref<1x400x128xf32, #tpu.memory_space<vmem>>
      %dma_start3A_111 = tpu.memref_squeeze %dma_start3A_110 : memref<1x400x128xf32, #tpu.memory_space<vmem>> -> memref<400x128xf32, #tpu.memory_space<vmem>>
      %dma_start3A_112 = tpu.memref_slice %arg5[%mul3A_105] : memref<25600xi32, #tpu.memory_space<vmem>> -> memref<400xi32, #tpu.memory_space<vmem>>
      %dma_start3A_113 = arith.constant 0 : i32
      %dma_start3A_114 = arith.constant 0 : i32
      %dma_start3A_115 = tpu.memref_slice %arg3[%dma_start3A_113, %dma_start3A_114] : memref<100000x128xf32, #tpu.memory_space<hbm>> -> memref<100000x128xf32, #tpu.memory_space<hbm>>
      %dma_start3A_116 = tpu.memref_slice %arg7[%dma_start3A_107] : memref<2x!tpu.dma_semaphore, #tpu.memory_space<semaphore_mem>> -> memref<1x!tpu.dma_semaphore, #tpu.memory_space<semaphore_mem>>
      %dma_start3A_117 = tpu.memref_squeeze %dma_start3A_116 : memref<1x!tpu.dma_semaphore, #tpu.memory_space<semaphore_mem>> -> memref<!tpu.dma_semaphore, #tpu.memory_space<semaphore_mem>>
      tpu.enqueue_indirect_dma source(%dma_start3A_115 : memref<100000x128xf32, #tpu.memory_space<hbm>>) target(%dma_start3A_111 : memref<400x128xf32, #tpu.memory_space<vmem>>) offsets(%dma_start3A_112 : memref<400xi32, #tpu.memory_space<vmem>>) semaphore(%dma_start3A_117 : memref<!tpu.dma_semaphore, #tpu.memory_space<semaphore_mem>>)
      %dma_wait3A_118 = arith.constant 0 : i32
      %dma_wait3A_119 = arith.constant 0 : i32
      %dma_wait3A_120 = arith.constant 0 : i32
      %dma_wait3A_121 = arith.constant 0 : i32
      %dma_wait3A_122 = tpu.memref_slice %arg6[%dma_wait3A_118, %dma_wait3A_120, %dma_wait3A_121] : memref<2x400x128xf32, #tpu.memory_space<vmem>> -> memref<1x400x128xf32, #tpu.memory_space<vmem>>
      %dma_wait3A_123 = tpu.memref_squeeze %dma_wait3A_122 : memref<1x400x128xf32, #tpu.memory_space<vmem>> -> memref<400x128xf32, #tpu.memory_space<vmem>>
      %dma_wait3A_124 = arith.constant 0 : i32
      %dma_wait3A_125 = tpu.memref_slice %arg5[%dma_wait3A_124] : memref<25600xi32, #tpu.memory_space<vmem>> -> memref<400xi32, #tpu.memory_space<vmem>>
      %dma_wait3A_126 = arith.constant 0 : i32
      %dma_wait3A_127 = arith.constant 0 : i32
      %dma_wait3A_128 = tpu.memref_slice %arg3[%dma_wait3A_126, %dma_wait3A_127] : memref<100000x128xf32, #tpu.memory_space<hbm>> -> memref<100000x128xf32, #tpu.memory_space<hbm>>
      %dma_wait3A_129 = tpu.memref_slice %arg7[%dma_wait3A_119] : memref<2x!tpu.dma_semaphore, #tpu.memory_space<semaphore_mem>> -> memref<1x!tpu.dma_semaphore, #tpu.memory_space<semaphore_mem>>
      %dma_wait3A_130 = tpu.memref_squeeze %dma_wait3A_129 : memref<1x!tpu.dma_semaphore, #tpu.memory_space<semaphore_mem>> -> memref<!tpu.dma_semaphore, #tpu.memory_space<semaphore_mem>>
      tpu.wait_indirect_dma semaphore(%dma_wait3A_130 : memref<!tpu.dma_semaphore, #tpu.memory_space<semaphore_mem>>) src(%dma_wait3A_128 : memref<100000x128xf32, #tpu.memory_space<hbm>>) dst(%dma_wait3A_123 : memref<400x128xf32, #tpu.memory_space<vmem>>)
      %mul3A_131 = arith.constant 2 : i32
      %mul3A_132 = arith.muli %scan3A_69, %mul3A_131 : i32
      %add3A_133 = arith.constant 1 : i32
      %add3A_134 = arith.addi %mul3A_132, %add3A_133 : i32
      %sub3A = arith.constant 1 : i32
      %sub3A_135 = arith.subi %add3A_134, %sub3A : i32
      %mul3A_136 = arith.constant 400 : i32
      %mul3A_137 = arith.muli %sub3A_135, %mul3A_136 : i32
      %add3A_138 = arith.addi %mul3A_2, %mul3A_137 : i32
      %dma_start3A_139 = arith.constant 0 : i32
      %dma_start3A_140 = arith.constant 0 : i32
      %dma_start3A_141 = arith.constant 0 : i32
      %dma_start3A_142 = arith.constant 0 : i32
      %dma_start3A_143 = tpu.memref_slice %arg6[%dma_start3A_139, %dma_start3A_141, %dma_start3A_142] : memref<2x400x128xf32, #tpu.memory_space<vmem>> -> memref<1x400x128xf32, #tpu.memory_space<vmem>>
      %dma_start3A_144 = tpu.memref_squeeze %dma_start3A_143 : memref<1x400x128xf32, #tpu.memory_space<vmem>> -> memref<400x128xf32, #tpu.memory_space<vmem>>
      %dma_start3A_145 = arith.constant 0 : i32
      %dma_start3A_146 = tpu.memref_slice %arg4[%add3A_138, %dma_start3A_145] : memref<819200x128xf32, #tpu.memory_space<hbm>> -> memref<400x128xf32, #tpu.memory_space<hbm>>
      %dma_start3A_147 = tpu.memref_slice %arg8[%dma_start3A_140] : memref<2x!tpu.dma_semaphore, #tpu.memory_space<semaphore_mem>> -> memref<1x!tpu.dma_semaphore, #tpu.memory_space<semaphore_mem>>
      %dma_start3A_148 = tpu.memref_squeeze %dma_start3A_147 : memref<1x!tpu.dma_semaphore, #tpu.memory_space<semaphore_mem>> -> memref<!tpu.dma_semaphore, #tpu.memory_space<semaphore_mem>>
      %dma_start3A_149 = arith.constant 0 : i32
      %dma_start3A_150 = tpu.memref_slice %arg4[%add3A_138, %dma_start3A_149] : memref<819200x128xf32, #tpu.memory_space<hbm>> -> memref<400x128xf32, #tpu.memory_space<hbm>>
      %dma_start3A_151 = arith.constant 0 : i32
      %dma_start3A_152 = arith.constant 0 : i32
      %dma_start3A_153 = tpu.memref_slice %arg6[%dma_start3A_139, %dma_start3A_151, %dma_start3A_152] : memref<2x400x128xf32, #tpu.memory_space<vmem>> -> memref<1x400x128xf32, #tpu.memory_space<vmem>>
      %dma_start3A_154 = tpu.memref_squeeze %dma_start3A_153 : memref<1x400x128xf32, #tpu.memory_space<vmem>> -> memref<400x128xf32, #tpu.memory_space<vmem>>
      tpu.enqueue_dma source(%dma_start3A_154 : memref<400x128xf32, #tpu.memory_space<vmem>>) target(%dma_start3A_150 : memref<400x128xf32, #tpu.memory_space<hbm>>) target_semaphore(%dma_start3A_148 : memref<!tpu.dma_semaphore, #tpu.memory_space<semaphore_mem>>)
    }
    %scan3A_7 = arith.constant 32 : i32
    %dma_wait3A = arith.constant 1 : i32
    %dma_wait3A_8 = arith.constant 1 : i32
    %dma_wait3A_9 = arith.constant 0 : i32
    %dma_wait3A_10 = arith.constant 0 : i32
    %dma_wait3A_11 = tpu.memref_slice %arg6[%dma_wait3A, %dma_wait3A_9, %dma_wait3A_10] : memref<2x400x128xf32, #tpu.memory_space<vmem>> -> memref<1x400x128xf32, #tpu.memory_space<vmem>>
    %dma_wait3A_12 = tpu.memref_squeeze %dma_wait3A_11 : memref<1x400x128xf32, #tpu.memory_space<vmem>> -> memref<400x128xf32, #tpu.memory_space<vmem>>
    %dma_wait3A_13 = arith.constant 0 : i32
    %dma_wait3A_14 = tpu.memref_slice %arg5[%dma_wait3A_13] : memref<25600xi32, #tpu.memory_space<vmem>> -> memref<400xi32, #tpu.memory_space<vmem>>
    %dma_wait3A_15 = arith.constant 0 : i32
    %dma_wait3A_16 = arith.constant 0 : i32
    %dma_wait3A_17 = tpu.memref_slice %arg3[%dma_wait3A_15, %dma_wait3A_16] : memref<100000x128xf32, #tpu.memory_space<hbm>> -> memref<100000x128xf32, #tpu.memory_space<hbm>>
    %dma_wait3A_18 = tpu.memref_slice %arg7[%dma_wait3A_8] : memref<2x!tpu.dma_semaphore, #tpu.memory_space<semaphore_mem>> -> memref<1x!tpu.dma_semaphore, #tpu.memory_space<semaphore_mem>>
    %dma_wait3A_19 = tpu.memref_squeeze %dma_wait3A_18 : memref<1x!tpu.dma_semaphore, #tpu.memory_space<semaphore_mem>> -> memref<!tpu.dma_semaphore, #tpu.memory_space<semaphore_mem>>
    tpu.wait_indirect_dma semaphore(%dma_wait3A_19 : memref<!tpu.dma_semaphore, #tpu.memory_space<semaphore_mem>>) src(%dma_wait3A_17 : memref<100000x128xf32, #tpu.memory_space<hbm>>) dst(%dma_wait3A_12 : memref<400x128xf32, #tpu.memory_space<vmem>>)
    %add3A_20 = arith.constant 25200 : i32
    %add3A_21 = arith.addi %mul3A_2, %add3A_20 : i32
    %dma_start3A = arith.constant 1 : i32
    %dma_start3A_22 = arith.constant 1 : i32
    %dma_start3A_23 = arith.constant 0 : i32
    %dma_start3A_24 = arith.constant 0 : i32
    %dma_start3A_25 = tpu.memref_slice %arg6[%dma_start3A, %dma_start3A_23, %dma_start3A_24] : memref<2x400x128xf32, #tpu.memory_space<vmem>> -> memref<1x400x128xf32, #tpu.memory_space<vmem>>
    %dma_start3A_26 = tpu.memref_squeeze %dma_start3A_25 : memref<1x400x128xf32, #tpu.memory_space<vmem>> -> memref<400x128xf32, #tpu.memory_space<vmem>>
    %dma_start3A_27 = arith.constant 0 : i32
    %dma_start3A_28 = tpu.memref_slice %arg4[%add3A_21, %dma_start3A_27] : memref<819200x128xf32, #tpu.memory_space<hbm>> -> memref<400x128xf32, #tpu.memory_space<hbm>>
    %dma_start3A_29 = tpu.memref_slice %arg8[%dma_start3A_22] : memref<2x!tpu.dma_semaphore, #tpu.memory_space<semaphore_mem>> -> memref<1x!tpu.dma_semaphore, #tpu.memory_space<semaphore_mem>>
    %dma_start3A_30 = tpu.memref_squeeze %dma_start3A_29 : memref<1x!tpu.dma_semaphore, #tpu.memory_space<semaphore_mem>> -> memref<!tpu.dma_semaphore, #tpu.memory_space<semaphore_mem>>
    %dma_start3A_31 = arith.constant 0 : i32
    %dma_start3A_32 = tpu.memref_slice %arg4[%add3A_21, %dma_start3A_31] : memref<819200x128xf32, #tpu.memory_space<hbm>> -> memref<400x128xf32, #tpu.memory_space<hbm>>
    %dma_start3A_33 = arith.constant 0 : i32
    %dma_start3A_34 = arith.constant 0 : i32
    %dma_start3A_35 = tpu.memref_slice %arg6[%dma_start3A, %dma_start3A_33, %dma_start3A_34] : memref<2x400x128xf32, #tpu.memory_space<vmem>> -> memref<1x400x128xf32, #tpu.memory_space<vmem>>
    %dma_start3A_36 = tpu.memref_squeeze %dma_start3A_35 : memref<1x400x128xf32, #tpu.memory_space<vmem>> -> memref<400x128xf32, #tpu.memory_space<vmem>>
    tpu.enqueue_dma source(%dma_start3A_36 : memref<400x128xf32, #tpu.memory_space<vmem>>) target(%dma_start3A_32 : memref<400x128xf32, #tpu.memory_space<hbm>>) target_semaphore(%dma_start3A_30 : memref<!tpu.dma_semaphore, #tpu.memory_space<semaphore_mem>>)
    %dma_wait3A_37 = arith.constant 0 : i32
    %dma_wait3A_38 = arith.constant 0 : i32
    %dma_wait3A_39 = arith.constant 0 : i32
    %dma_wait3A_40 = arith.constant 0 : i32
    %dma_wait3A_41 = tpu.memref_slice %arg6[%dma_wait3A_37, %dma_wait3A_39, %dma_wait3A_40] : memref<2x400x128xf32, #tpu.memory_space<vmem>> -> memref<1x400x128xf32, #tpu.memory_space<vmem>>
    %dma_wait3A_42 = tpu.memref_squeeze %dma_wait3A_41 : memref<1x400x128xf32, #tpu.memory_space<vmem>> -> memref<400x128xf32, #tpu.memory_space<vmem>>
    %dma_wait3A_43 = arith.constant 0 : i32
    %dma_wait3A_44 = tpu.memref_slice %arg4[%mul3A_2, %dma_wait3A_43] : memref<819200x128xf32, #tpu.memory_space<hbm>> -> memref<400x128xf32, #tpu.memory_space<hbm>>
    %dma_wait3A_45 = tpu.memref_slice %arg8[%dma_wait3A_38] : memref<2x!tpu.dma_semaphore, #tpu.memory_space<semaphore_mem>> -> memref<1x!tpu.dma_semaphore, #tpu.memory_space<semaphore_mem>>
    %dma_wait3A_46 = tpu.memref_squeeze %dma_wait3A_45 : memref<1x!tpu.dma_semaphore, #tpu.memory_space<semaphore_mem>> -> memref<!tpu.dma_semaphore, #tpu.memory_space<semaphore_mem>>
    %dma_wait3A_47 = arith.constant 0 : i32
    %dma_wait3A_48 = tpu.memref_slice %arg4[%mul3A_2, %dma_wait3A_47] : memref<819200x128xf32, #tpu.memory_space<hbm>> -> memref<400x128xf32, #tpu.memory_space<hbm>>
    %dma_wait3A_49 = arith.constant 0 : i32
    %dma_wait3A_50 = arith.constant 0 : i32
    %dma_wait3A_51 = tpu.memref_slice %arg6[%dma_wait3A_37, %dma_wait3A_49, %dma_wait3A_50] : memref<2x400x128xf32, #tpu.memory_space<vmem>> -> memref<1x400x128xf32, #tpu.memory_space<vmem>>
    %dma_wait3A_52 = tpu.memref_squeeze %dma_wait3A_51 : memref<1x400x128xf32, #tpu.memory_space<vmem>> -> memref<400x128xf32, #tpu.memory_space<vmem>>
    tpu.wait_dma2 semaphore(%dma_wait3A_46 : memref<!tpu.dma_semaphore, #tpu.memory_space<semaphore_mem>>) src(%dma_wait3A_52 : memref<400x128xf32, #tpu.memory_space<vmem>>) dst(%dma_wait3A_48 : memref<400x128xf32, #tpu.memory_space<hbm>>)
    %dma_wait3A_53 = arith.constant 1 : i32
    %dma_wait3A_54 = arith.constant 1 : i32
    %dma_wait3A_55 = arith.constant 0 : i32
    %dma_wait3A_56 = arith.constant 0 : i32
    %dma_wait3A_57 = tpu.memref_slice %arg6[%dma_wait3A_53, %dma_wait3A_55, %dma_wait3A_56] : memref<2x400x128xf32, #tpu.memory_space<vmem>> -> memref<1x400x128xf32, #tpu.memory_space<vmem>>
    %dma_wait3A_58 = tpu.memref_squeeze %dma_wait3A_57 : memref<1x400x128xf32, #tpu.memory_space<vmem>> -> memref<400x128xf32, #tpu.memory_space<vmem>>
    %dma_wait3A_59 = arith.constant 0 : i32
    %dma_wait3A_60 = tpu.memref_slice %arg4[%mul3A_2, %dma_wait3A_59] : memref<819200x128xf32, #tpu.memory_space<hbm>> -> memref<400x128xf32, #tpu.memory_space<hbm>>
    %dma_wait3A_61 = tpu.memref_slice %arg8[%dma_wait3A_54] : memref<2x!tpu.dma_semaphore, #tpu.memory_space<semaphore_mem>> -> memref<1x!tpu.dma_semaphore, #tpu.memory_space<semaphore_mem>>
    %dma_wait3A_62 = tpu.memref_squeeze %dma_wait3A_61 : memref<1x!tpu.dma_semaphore, #tpu.memory_space<semaphore_mem>> -> memref<!tpu.dma_semaphore, #tpu.memory_space<semaphore_mem>>
    %dma_wait3A_63 = arith.constant 0 : i32
    %dma_wait3A_64 = tpu.memref_slice %arg4[%mul3A_2, %dma_wait3A_63] : memref<819200x128xf32, #tpu.memory_space<hbm>> -> memref<400x128xf32, #tpu.memory_space<hbm>>
    %dma_wait3A_65 = arith.constant 0 : i32
    %dma_wait3A_66 = arith.constant 0 : i32
    %dma_wait3A_67 = tpu.memref_slice %arg6[%dma_wait3A_53, %dma_wait3A_65, %dma_wait3A_66] : memref<2x400x128xf32, #tpu.memory_space<vmem>> -> memref<1x400x128xf32, #tpu.memory_space<vmem>>
    %dma_wait3A_68 = tpu.memref_squeeze %dma_wait3A_67 : memref<1x400x128xf32, #tpu.memory_space<vmem>> -> memref<400x128xf32, #tpu.memory_space<vmem>>
    tpu.wait_dma2 semaphore(%dma_wait3A_62 : memref<!tpu.dma_semaphore, #tpu.memory_space<semaphore_mem>>) src(%dma_wait3A_68 : memref<400x128xf32, #tpu.memory_space<vmem>>) dst(%dma_wait3A_64 : memref<400x128xf32, #tpu.memory_space<hbm>>)
    return
  }
}

</mosaic_0001>

<sc_bundles>
// kernel: kernel.3.cloned.1.call-start
scs
__scs_entry_jumppad:
0x0: {  	(pc) =	sbr.rel $0x88, $3  }
0x1: {  	(tag) =	ssettag $0x0;
	lr =	simm.s32 $0x1  }
0x2: {  	[smem:$0x3F9F] =	sst lr;
	_ =	strace $0xD0000000  }
0x3: {  	_ = 	snop  }
0x4: {  	_ = 	snop  }
0x5: {  	_ = 	snop  }
0x6: {  	_ = 	snop  }
0x7: {  	_ = 	snop  }
__scs_overlays_trampoline_lowered:
0x8: {  	[smem:$0x3FAE] =	sst s0  }
0x9: {  	[smem:$0x3FAF] =	sst s1  }
0xa: {  	[smem:$0x3FB0] =	sst s2  }
0xb: {  	[smem:$0x3FB1] =	sst s3  }
0xc: {  	[smem:$0x3FB2] =	sst s4  }
0xd: {  	[smem:$0x3FB3] =	sst s5  }
0xe: {  	[smem:$0x3FB4] =	sst s6  }
0xf: {  	[smem:$0x3FB5] =	sst s7  }
0x10: {  	[smem:$0x3FB6] =	sst s8  }
0x11: {  	[smem:$0x3FB7] =	sst s9;
	s0 =	simm.s32 @!p0 $0x0  }
0x12: {  	s1 =	sld [smem:$0x3F9D];
	s0 =	simm.s32 @p0 $0x1  }
0x13: {  	[smem:$0x3FB8] =	sst s0;
	s0 =	simm.s32 @!p1 $0x0  }
0x14: {  	s2 =	sld [smem:$0x3F9C];
	s0 =	simm.s32 @p1 $0x1  }
0x15: {  	[smem:$0x3FB9] =	sst s0;
	s0 =	simm.s32 @!p2 $0x0  }
0x16: {  	s3 =	sld [smem:$0x3FDB];
	s0 =	simm.s32 @p2 $0x1  }
0x17: {  	s4 =	simm.s32 $0x1BF5;
	[smem:$0x3FBB] =	sst s0  }
0x18: {  	s0 =	sld [smem:$0x3F9E];
	_ =	swait.ge [sflag:s4], $0x0  }
0x19: {  	s7 =	sld [smem:$0x3F9F]  }
0x1a: {  	s8 =	sadd.s32 $0xFFFFE003, lr  }
0x1b: {  	s9 =	sadd.s32 $0xFFFFFEF7, lr;
	s5 =	simm.s32 $0xFFFFFFFF;
	p2 =	slt.u32 s8, $0xFFFFF086  }
0x1c: {  	p1 =	slt.u32 s9, $0xF7A;
	s5 =	simm.s32 @!p2 $0x0  }
0x1d: {  	s5 =	simm.s32 @p1 $0x1;
	p0 =	seq.s32 s7, s2  }
0x1e: {  	s7 =	smul.u32 @!p0 $0xF7A, s2;
	p2 =	seq.s32 @!p0 s5, $0x0  }
0x1f: {  	s9 =	smul.u32 $0xF7A, s1;
	s8 =	simm.s32 @!p0 $0x1BF5;
	p2 =	por !p2, p0  }
0x20: {  	[sflag:s8] =	ssyncset.s32 @!p0 $0xFFFFF086;
	s6 =	sadd.s32 @!p0 s3, s7;
	s7 =	simm.s32 @!p0 $0x108  }
0x21: {  	s3 =	sadd.s32 s3, s9;
	s6 =	sadd.s32 @!p0 $0x88, s6;
	s7 =	simm.s32 @p2 $0x1082  }
0x22: {  	[simem:s7], [sflag:s8] =	dma.local @!p0 [hbm:s6], $0xF7A  }
0x23: {  	s9 =	sor.u32 $0xD0000000, s2;
	s6 =	simm.s32 $0x108;
	_ =	swait.ge @!p0 [sflag:s8], $0x0  }
0x24: {  	s3 =	sadd.s32 $0x88, s3;
	s6 =	simm.s32 @!p1 $0x1082;
	[sflag:s4] =	ssyncset.s32 $0xFFFFF086  }
0x25: {  	[simem:s6], [sflag:s4] =	dma.local [hbm:s3], $0xF7A  }
0x26: {  	[smem:$0x3F9F] =	sst s1;
	(tag) =	ssettag s2;
	_ =	strace s9  }
0x27: {  	s1 =	sld [smem:$0x3FAF]  }
0x28: {  	s2 =	sld [smem:$0x3FB0]  }
0x29: {  	s4 =	sld [smem:$0x3FB2]  }
0x2a: {  	p0 =	seq.s32 s5, $0x0;
	s5 =	sld [smem:$0x3FB3]  }
0x2b: {  	s6 =	sld [smem:$0x3FB4]  }
0x2c: {  	s7 =	sld [smem:$0x3FB5]  }
0x2d: {  	s3 =	simm.s32 $0x108;
	s8 =	sld [smem:$0x3FB6]  }
0x2e: {  	s3 =	simm.s32 @!p0 $0x1082;
	s9 =	sld [smem:$0x3FB7]  }
0x2f: {  	lr =	sadd.s32 s0, s3;
	s0 =	sld [smem:$0x3FAE]  }
0x30: {  	s3 =	sld [smem:$0x3FB1]  }
0x31: {  	[smem:$0x3FBA] =	sst s10  }
0x32: {  	s10 =	sld [smem:$0x3FB8];
	_ =	sdelay $0x3  }
0x33: {  	p0 =	seq.s32 s10, $0x1;
	s10 =	sld [smem:$0x3FBA];
	_ =	sdelay $0x3  }
0x34: {  	[smem:$0x3FBA] =	sst s10  }
0x35: {  	s10 =	sld [smem:$0x3FB9];
	_ =	sdelay $0x3  }
0x36: {  	p1 =	seq.s32 s10, $0x1;
	s10 =	sld [smem:$0x3FBA];
	_ =	sdelay $0x3  }
0x37: {  	[smem:$0x3FBA] =	sst s10  }
0x38: {  	s10 =	sld [smem:$0x3FBB]  }
0x39: {  	_ = 	snop;
	(pc) =	sbr.ind lr, $3  }
0x3a: {  	_ = 	snop  }
0x3b: {  	_ = 	snop  }
0x3c: {  	p2 =	seq.s32 s10, $0x1;
	s10 =	sld [smem:$0x3FBA]  }
0x3d: {  	_ =	shalt  }
0x3e: {  	_ =	shalt  }
0x3f: {  	_ =	shalt  }
0x40: {  	_ =	shalt  }
0x41: {  	_ =	shalt  }
0x42: {  	_ =	shalt  }
0x43: {  	_ =	shalt  }
0x44: {  	_ =	shalt  }
0x45: {  	_ =	shalt  }
0x46: {  	_ =	shalt  }
0x47: {  	_ =	shalt  }
0x48: {  	_ =	shalt  }
0x49: {  	_ =	shalt  }
0x4a: {  	_ =	shalt  }
0x4b: {  	_ =	shalt  }
0x4c: {  	_ =	shalt  }
0x4d: {  	_ =	shalt  }
0x4e: {  	_ =	shalt  }
0x4f: {  	_ =	shalt  }
0x50: {  	_ =	shalt  }
0x51: {  	_ =	shalt  }
0x52: {  	_ =	shalt  }
0x53: {  	_ =	shalt  }
0x54: {  	_ =	shalt  }
0x55: {  	_ =	shalt  }
0x56: {  	_ =	shalt  }
0x57: {  	_ =	shalt  }
0x58: {  	_ =	shalt  }
0x59: {  	_ =	shalt  }
0x5a: {  	_ =	shalt  }
0x5b: {  	_ =	shalt  }
0x5c: {  	_ =	shalt  }
0x5d: {  	_ =	shalt  }
0x5e: {  	_ =	shalt  }
0x5f: {  	_ =	shalt  }
0x60: {  	_ =	shalt  }
0x61: {  	_ =	shalt  }
0x62: {  	_ =	shalt  }
0x63: {  	_ =	shalt  }
0x64: {  	_ =	shalt  }
0x65: {  	_ =	shalt  }
0x66: {  	_ =	shalt  }
0x67: {  	_ =	shalt  }
0x68: {  	_ =	shalt  }
0x69: {  	_ =	shalt  }
0x6a: {  	_ =	shalt  }
0x6b: {  	_ =	shalt  }
0x6c: {  	_ =	shalt  }
0x6d: {  	_ =	shalt  }
0x6e: {  	_ =	shalt  }
0x6f: {  	_ =	shalt  }
0x70: {  	_ =	shalt  }
0x71: {  	_ =	shalt  }
0x72: {  	_ =	shalt  }
0x73: {  	_ =	shalt  }
0x74: {  	_ =	shalt  }
0x75: {  	_ =	shalt  }
0x76: {  	_ =	shalt  }
0x77: {  	_ =	shalt  }
0x78: {  	_ =	shalt  }
0x79: {  	_ =	shalt  }
0x7a: {  	_ =	shalt  }
0x7b: {  	_ =	shalt  }
0x7c: {  	_ =	shalt  }
0x7d: {  	_ =	shalt  }
0x7e: {  	_ =	shalt  }
0x7f: {  	_ =	shalt  }
0x80: {  	_ =	shalt  }
0x81: {  	_ =	shalt  }
0x82: {  	_ =	shalt  }
0x83: {  	_ =	shalt  }
0x84: {  	_ =	shalt  }
0x85: {  	_ =	shalt  }
0x86: {  	_ =	shalt  }
0x87: {  	_ =	shalt  }
.Lfunc_end0:
.L_simem_size_0:
called_computation_lowered:
.L_overlay_start_0:
0x88: {  	s2 =	sld [smem:$0x3FD9]  }
0x89: {  	s3 =	sld [smem:$0x3FFE];
	_ =	sdelay $0x1  }
0x8a: {  	s1 =	srdreg.scid  }
0x8b: {  	s0 =	sand.u32 $0x1, s1  }
0x8c: {  	s17 =	sshll.u32 s0, $0xA;
	s2 =	sadd.s32 s3, s2  }
0x8d: {  	s2 =	sadd.s32 s2, s17  }
0x8e: {  	[smem:$0x3FC6] =	sst s2  }
0x8f: {  	_ = 	snop  }
0x90: {  	s2 =	sld [smem:$0x3FC8]  }
0x91: {  	s18 =	sld [smem:$0x3FD0];
	(tm) =	ssettm $0x1  }
0x92: {  	s4 =	sld [smem:$0x3FFB];
	_ =	sdelay $0x3  }
0x93: {  	_ =	strace s4  }
0x94: {  	s4 =	sld [smem:$0x3FFC];
	_ =	sdelay $0x3  }
0x95: {  	_ =	strace s4  }
0x96: {  	s4 =	sld [smem:$0x3FFD];
	_ =	sdelay $0x3  }
0x97: {  	_ =	strace s4  }
0x98: {  	_ =	strace $0x8FFFFFFF  }
0x99: {  	s19 =	sld [smem:$0x3FDB];
	_ =	sdelay $0x1  }
0x9a: {  	s5 =	simm.s32 $_scs_section_size  }
0x9b: {  	s6 =	simm.s32 $_size__tile_overlayer_lowered;
	s7 =	simm.s32 $_tile_overlayer_lowered  }
0x9c: {  	s22 =	simm.s32 $0x1BFF;
	s21 =	sshll.u32 s7, $0x1;
	s4 =	sadd.s32 s5, s19  }
0x9d: {  	s8 =	simm.s32 $0x0;
	s20 =	sshll.u32 s6, $0x1;
	s6 =	sadd.s32 s21, s4  }
0x9e: {  	[timem:s8], [sflag:s22] =	dma.local [hbm:s6], s20  }
0x9f: {  	_ =	swait.ge [sflag:s22], s20  }
0xa0: {  	s5 =	ssub.s32 $0x0, s20;
	[sflag:s22] =	ssyncset.done $0x0  }
0xa1: {  	[sflag:s22] =	ssyncadd.s32 s5;
	_ =	sdelay $0x1  }
0xa2: {  	s23 =	simm.s32 $0x1B8B  }
0xa3: {  	_ =	swait.ge [sflag:s23], $0x1  }
0xa4: {  	[sflag:s23] =	ssyncset.done $0x0  }
0xa5: {  	s25 =	simm.s32 $0x1B8E;
	s24 =	sld [smem:$0x3FFE];
	[sflag:s23] =	ssyncadd.s32 $0xFFFFFFFF  }
0xa6: {  	s26 =	simm.s32 $execute0_lowered;
	[smem:$0x3FD2] =	sst s25  }
0xa7: {  	s6 =	sshll.u32 s26, $0x1;
	_ =	strace $0x80000046;
	[dreg:$0x1] =	wrdreg $0xFFFFFFFF  }
0xa8: {  	s28 =	simm.s32 $_size_execute0_lowered;
	s4 =	sadd.s32 s4, s6;
	[dreg:$0x0] =	wrdreg $0x0  }
0xa9: {  	s6 =	sshll.u32 s28, $0x1;
	[dreg:$0x2] =	wrdreg s4  }
0xaa: {  	[dreg:$0x3] =	wrdreg s6  }
0xab: {  	[dreg:$0x4] =	wrdreg $0xC0  }
0xac: {  	_ =	task [dreg:s8], $0x5FFFF  }
0xad: {  	[dreg:$0x1] =	wrdreg $0xFFFFFFFF  }
0xae: {  	[dreg:$0x0] =	wrdreg $0x60  }
0xaf: {  	[dreg:$0x2] =	wrdreg s24  }
0xb0: {  	[dreg:$0x3] =	wrdreg s2  }
0xb1: {  	[dreg:$0x4] =	wrdreg s18  }
0xb2: {  	[dreg:$0x5] =	wrdreg $0x9  }
0xb3: {  	_ =	task.clear_ibuf [dreg:s8], $0x6FFFF;
	_ =	strace $0x90000046  }
0xb4: {  	s29 =	simm.s32 $0x9;
	_ =	strace $0x80000048  }
0xb5: {  	_ =	swait.ge [sflag:s29], $0x1  }
0xb6: {  	[sflag:s29] =	ssyncadd.s32 $0xFFFFFFFF  }
0xb7: {  	_ =	strace $0x90000048  }
0xb8: {  	_ =	sfence  }
0xb9: {  	s30 =	sld [smem:$0x0];
	_ =	sdelay $0x2  }
0xba: {  	s31 =	sshll.u32 s1, $0xD;
	s1 =	sshrl.u32 s1, $0x2  }
0xbb: {  	s3 =	sand.u32 $0x4000, s31;
	s1 =	sadd.s32 s1, s30  }
0xbc: {  	s0 =	sor.u32 s3, s0;
	s1 =	sshll.u32 s1, $0x11  }
0xbd: {  	s0 =	sor.u32 s1, s0  }
0xbe: {  	s0 =	sadd.s32 $0x8F2B, s0  }
0xbf: {  	[sflag:s0] =	ssyncadd.remote.s32 $0x1  }
0xc0: {  	_ =	sfence.sel $0xFFFF  }
0xc1: {  	[dreg:$0x0] =	wrdreg $0xFFFFFFFF;
	(pc) =	sbr.abs _section_cstart, $3  }
0xc2: {  	[dreg:$0x1] =	wrdreg $0xFFFFFFFF  }
0xc3: {  	_ =	task.clear_ibuf [dreg:s8], $0x2FFFF;
	_ =	strace $0x9FFFFFFF  }
0xc4: {  	(tm) =	ssettm $0x7FFFFFFF  }
0xc5: {  	_ =	shalt  }
tec
execute0_lowered:
.L_overlay_start_1:
0x0: {  	(tag) =	ssettag $0x1  }
0x1: {  	s4 =	rddreg [dreg:$0x0]  }
0x2: {  	s2 =	rddreg [dreg:$0x1]  }
0x3: {  	s1 =	srdreg.scid;
	s0 =	stileid.u32  }
0x4: {  	s7 =	rddreg [dreg:$0x2];
	s3 =	simm.s32 $0x0;
	s12 =	simm.s32 $0x12C00  }
0x5: {  	s13 =	simm.s32 $0x1;
	s14 =	simm.s32 $0x3;
	s15 =	simm.s32 $0x2  }
0x6: {  	s5 =	sand.u32 $0x1, s1;
	s6 =	sshll.u32 s0, $0x1;
	s11 =	smul.u32 $0xC8000, s0  }
0x7: {  	s16 =	simm.s32 $0x4;
	s6 =	sor.u32 s5, s6;
	s28 =	smul.u32 $0x64000, s5  }
0x8: {  	s17 =	simm.s32 $0x0;
	s1 =	rddreg [dreg:$0x3];
	s8 =	smul.u32 $0x6400, s6  }
0x9: {  	[smem:$0x7FF] =	sst s3;
	s9 =	ssub.s32 $0x2, s5;
	s10 =	smul.u32 $0x320000, s6  }
0xa: {  	_ =	strace $0x80000047;
	s25 =	sshrl.u32 s9, $0x1;
	s30 =	smul.u32 $0x64000, s6  }
0xb: {  	s31 =	sadd.s32 s11, s7;
	s11 =	simm.s32 $0x6400;
	s8 =	sshrl.u32 s8, $0x3  }
0xc: {  	s26 =	sshrl.u32 s10, $0x3;
	s10 =	sadd.s32 s28, s31;
	s4 =	sadd.s32 s8, s4  }
0xd: {  	s8 =	ssub.s32 s9, s25;
	s29 =	sadd.s32 s7, s26;
	s7 =	sadd.s32 s7, s30  }
0xe: {  	s9 =	simm.s32 $0x5;
	s4 =	sadd.s32 $0x400, s4;
	s5 =	sadd.s32 $0x62700, s29  }
0xf: {  	s6 =	smax.u32 s8, $0x1;
	s8 =	sadd.s32 $0x3200, s10;
	s10 =	simm.s32 $0x190  }
.LBB2_1:
0x10: {  	[tilespmem:s3], [sflag:$0x5] =	stream.linear.gather [hbm4b:s4+s3], $0x6400, $0x38;
	[tilespmem:$0x1F400] =	vst v63  }
0x11: {  	_ =	swait.ge [sflag:s9], $0x6400  }
0x12: {  	[sflag:s9] =	ssyncset.done $0x0  }
0x13: {  	[sflag:s9] =	ssyncadd.s32 $0xFFFF9C00  }
0x14: {  	[tilespmem:s11], [sflag:$0x1] =	stream.indirect.gather [hbm4b:s2+s10], $0x80, s3, s10, $0xb8;
	[tilespmem:$0x1F400] =	vst v63  }
0x15: {  	_ = 	snop  }
0x16: {  	[tilespmem:s12], [sflag:$0x2] =	stream.indirect.gather [hbm4b:s2+s10], $0x80, s10, s10, $0xb8;
	[tilespmem:$0x1F400] =	vst v63  }
0x17: {  	_ =	swait.ge [sflag:s13], $0xC800  }
0x18: {  	[sflag:s13] =	ssyncset.done $0x0  }
0x19: {  	[sflag:s13] =	ssyncadd.s32 $0xFFFF3800  }
0x1a: {  	[hbm4b:s7+s3] =	stream.linear.scatter [tilespmem:s11], [sflag:$0x3], $0xC800, $0x38;
	[tilespmem:$0x1F400] =	vst v63  }
0x1b: {  	_ =	swait.ge [sflag:s14], $0xC800  }
0x1c: {  	[sflag:s14] =	ssyncset.done $0x0  }
0x1d: {  	s18 =	simm.s32 $0x320;
	[sflag:s14] =	ssyncadd.s32 $0xFFFF3800  }
0x1e: {  	[tilespmem:s11], [sflag:$0x1] =	stream.indirect.gather [hbm4b:s2+s10], $0x80, s18, s10, $0xb8;
	[tilespmem:$0x1F400] =	vst v63  }
0x1f: {  	_ =	swait.ge [sflag:s15], $0xC800  }
0x20: {  	[sflag:s15] =	ssyncset.done $0x0  }
0x21: {  	s30 =	sadd.s32 $0xFFFFE700, s8;
	[sflag:s15] =	ssyncadd.s32 $0xFFFF3800  }
0x22: {  	[hbm4b:s30+s3] =	stream.linear.scatter [tilespmem:s12], [sflag:$0x4], $0xC800, $0x38;
	[tilespmem:$0x1F400] =	vst v63  }
0x23: {  	_ =	swait.ge [sflag:s16], $0xC800  }
0x24: {  	[sflag:s16] =	ssyncset.done $0x0  }
0x25: {  	s31 =	simm.s32 $0x4B0;
	[sflag:s16] =	ssyncadd.s32 $0xFFFF3800  }
0x26: {  	[tilespmem:s12], [sflag:$0x2] =	stream.indirect.gather [hbm4b:s2+s10], $0x80, s31, s10, $0xb8;
	[tilespmem:$0x1F400] =	vst v63  }
0x27: {  	_ =	swait.ge [sflag:s13], $0xC800  }
0x28: {  	s19 =	sadd.s32 $0x3200, s8;
	[sflag:s13] =	ssyncset.done $0x0  }
0x29: {  	s20 =	smov.u32 s8;
	s18 =	simm.s32 $0xC80;
	[sflag:s13] =	ssyncadd.s32 $0xFFFF3800  }
.LBB2_2:
0x2a: {  	[hbm4b:s20+s3] =	stream.linear.scatter [tilespmem:s11], [sflag:$0x3], $0xC800, $0x38;
	[tilespmem:$0x1F400] =	vst v63  }
0x2b: {  	s21 =	smov.u32 s18;
	s20 =	smov.u32 s19  }
0x2c: {  	p0 =	sne.s32 s18, $0x17700;
	s18 =	sadd.s32 $0xC80, s18;
	_ =	swait.ge [sflag:s14], $0xC800  }
0x2d: {  	s21 =	sshra.s32 s21, $0x2;
	[sflag:s14] =	ssyncset.done $0x0  }
0x2e: {  	s22 =	sadd.s32 $0x320, s21;
	[sflag:s14] =	ssyncadd.s32 $0xFFFF3800  }
0x2f: {  	[tilespmem:s11], [sflag:$0x1] =	stream.indirect.gather [hbm4b:s2+s10], $0x80, s22, s10, $0xb8;
	[tilespmem:$0x1F400] =	vst v63  }
0x30: {  	_ =	swait.ge [sflag:s15], $0xC800  }
0x31: {  	[sflag:s15] =	ssyncset.done $0x0  }
0x32: {  	s22 =	sadd.s32 $0xFFFFE700, s19;
	[sflag:s15] =	ssyncadd.s32 $0xFFFF3800  }
0x33: {  	[hbm4b:s22+s3] =	stream.linear.scatter [tilespmem:s12], [sflag:$0x4], $0xC800, $0x38;
	[tilespmem:$0x1F400] =	vst v63  }
0x34: {  	_ =	swait.ge [sflag:s16], $0xC800  }
0x35: {  	[sflag:s16] =	ssyncset.done $0x0  }
.Ltmp0:
0x36: {  	s21 =	sadd.s32 $0x4B0, s21;
	[sflag:s16] =	ssyncadd.s32 $0xFFFF3800;
	(pc) =	sbr.rel @p0 .LBB2_2-.Ltmp0, $4  }
0x37: {  	[tilespmem:s12], [sflag:$0x2] =	stream.indirect.gather [hbm4b:s2+s10], $0x80, s21, s10, $0xb8;
	[tilespmem:$0x1F400] =	vst v63  }
0x38: {  	_ =	swait.ge [sflag:s13], $0xC800  }
0x39: {  	[sflag:s13] =	ssyncset.done $0x0  }
0x3a: {  	s19 =	sadd.s32 $0x3200, s19;
	[sflag:s13] =	ssyncadd.s32 $0xFFFF3800  }
0x3b: {  	[hbm4b:s20+s3] =	stream.linear.scatter [tilespmem:s11], [sflag:$0x3], $0xC800, $0x38;
	[tilespmem:$0x1F400] =	vst v63  }
0x3c: {  	_ =	swait.ge [sflag:s15], $0xC800  }
0x3d: {  	[sflag:s15] =	ssyncset.done $0x0  }
0x3e: {  	s17 =	sadd.s32 $0x1, s17;
	[sflag:s15] =	ssyncadd.s32 $0xFFFF3800  }
0x3f: {  	[hbm4b:s5+s3] =	stream.linear.scatter [tilespmem:s12], [sflag:$0x4], $0xC800, $0x38;
	[tilespmem:$0x1F400] =	vst v63  }
0x40: {  	p0 =	sne.s32 s17, s6;
	_ =	swait.ge [sflag:s14], $0xC800  }
.Ltmp1:
0x41: {  	[sflag:s14] =	ssyncset.done $0x0;
	(pc) =	sbr.rel @p0 .LBB2_1-.Ltmp1, $4  }
0x42: {  	[sflag:s14] =	ssyncadd.s32 $0xFFFF3800  }
0x43: {  	_ =	swait.ge [sflag:s16], $0xC800  }
0x44: {  	[sflag:s16] =	ssyncset.done $0x0  }
0x45: {  	[sflag:s16] =	ssyncadd.s32 $0xFFFF3800  }
0x46: {  	_ =	sfence.sel $0x180000  }
0x47: {  	[bflag:$0x0] =	sbarrier.arrive $0xFFFF  }
0x48: {  	p0 =	sne.s32 s0, $0x0;
	_ =	strace $0x90000047  }
0x49: {  	s0 =	sadd.s32 @!p0 $0x100000, s1;
	[bflag:$0x2] =	sbarrier.arrive $0xFFFF  }
0x4a: {  	[sflag:s0] =	ssyncadd.tile.s32 @!p0 $0x1;
	_ =	shalt  }
.Lfunc_end2:
_tile_overlayer_lowered:
.L_overlay_start_2:
0x4b: {  	(tag) =	ssettag $0x2  }
0x4c: {  	s0 =	rddreg [dreg:$0x0];
	s2 =	stileid.u32  }
0x4d: {  	s1 =	rddreg [dreg:$0x1];
	p0 =	sne.s32 s2, $0x0  }
0x4e: {  	s3 =	rddreg [dreg:$0x2];
	[bflag:$0x3] =	sbarrier.arrive $0xFFFF;
	s2 =	simm.s32 @!p0 $0x1C05  }
0x4f: {  	[timem:s3], [sflag:s2] =	dma.local @!p0 [hbm:s0], s1  }
0x50: {  	s0 =	simm.s32 @!p0 $0x5  }
0x51: {  	_ =	swait.ge @!p0 [sflag:s0], s1  }
0x52: {  	s1 =	ssub.s32 @!p0 $0x0, s1;
	[sflag:s0] =	ssyncset.done @!p0 $0x0  }
0x53: {  	[sflag:s0] =	ssyncadd.s32 @!p0 s1  }
0x54: {  	[bflag:$0x3] =	sbarrier.arrive $0xFFFF  }
0x55: {  	_ =	shalt  }

</sc_bundles>
